<compile_context>
chip_gen: v7x
topology: tpu7x:2x2x1
jax: 0.10.2.dev20260603
libtpu: 0.0.44.dev20260713+nightly
codegen_flags: <defaults>
</compile_context>

<pallas_src>
import functools

import jax
import jax.numpy as jnp
from jax import lax
from jax.experimental import pallas as pl
from jax.experimental.pallas import tpu as pltpu
from jax.experimental.pallas import tpu_sc as plsc

_B = 8
_R = 512
_C = 512
_RT = 384

_NC = 2
_NS = 16
_L = 16
_NW = _NC * _NS
_WPB = _NW // _B
_ROWS_W = (_R - _RT) // _WPB
_U = 2
_VPW = _ROWS_W * _C // _L


def _sc_body(out_hbm, tgt_hbm, res_hbm, obuf, tbuf, res_v, sem):
    wid = lax.axis_index("s") * _NC + lax.axis_index("c")
    b = wid // _WPB
    r0 = _RT + (wid % _WPB) * _ROWS_W
    rows = pl.ds(r0, _ROWS_W)
    h0 = pltpu.async_copy(out_hbm.at[b, rows, :], obuf, sem)
    h1 = pltpu.async_copy(tgt_hbm.at[b, rows, :], tbuf, sem)
    h0.wait()
    h1.wait()

    def body(i, accs):
        s0, s1, c0, c1 = accs
        base = i * (_L * _U)
        for u in range(_U):
            off = base + u * _L
            r = off // _C
            col = off % _C
            tv = tbuf[r, pl.ds(col, _L)]
            ov = obuf[r, pl.ds(col, _L)]
            m = tv > 0.0
            e = jnp.where(m, jnp.abs(tv - ov), 0.0)
            pc = jnp.where(m, 1.0, 0.0)
            if u % 2 == 0:
                s0 = s0 + e
                c0 = c0 + pc
            else:
                s1 = s1 + e
                c1 = c1 + pc
        return s0, s1, c0, c1

    z = jnp.zeros((_L,), jnp.float32)
    s0, s1, c0, c1 = lax.fori_loop(0, _VPW // _U, body, (z, z, z, z))
    res_v[0, :] = s0 + s1
    res_v[1, :] = c0 + c1
    pltpu.sync_copy(res_v, res_hbm.at[wid])


@functools.cache
def _make_sc():
    mesh = plsc.VectorSubcoreMesh(core_axis_name="c", subcore_axis_name="s")
    return pl.kernel(
        _sc_body,
        out_type=jax.ShapeDtypeStruct((_NW, 2, _L), jnp.float32),
        mesh=mesh,
        compiler_params=pltpu.CompilerParams(use_tc_tiling_on_sc=True),
        scratch_types=[
            pltpu.VMEM((_ROWS_W, _C), jnp.float32),
            pltpu.VMEM((_ROWS_W, _C), jnp.float32),
            pltpu.VMEM((2, _L), jnp.float32),
            pltpu.SemaphoreType.DMA,
        ],
    )


def _tc_body(o_ref, t_ref, s_ref, c_ref):
    b = pl.program_id(0)
    t = t_ref[0]
    o = o_ref[0]
    m = t > 0.0
    e = jnp.where(m, jnp.abs(t - o), 0.0)
    mf = jnp.where(m, 1.0, 0.0)

    @pl.when(b == 0)
    def _init():
        s_ref[0, 0] = 0.0
        c_ref[0, 0] = 0.0

    s_ref[0, 0] += jnp.sum(e)
    c_ref[0, 0] += jnp.sum(mf)


@functools.cache
def _make_tc():
    return pl.pallas_call(
        _tc_body,
        grid=(_B,),
        in_specs=[
            pl.BlockSpec((1, _RT, _C), lambda b: (b, 0, 0)),
            pl.BlockSpec((1, _RT, _C), lambda b: (b, 0, 0)),
        ],
        out_specs=[
            pl.BlockSpec(memory_space=pltpu.SMEM),
            pl.BlockSpec(memory_space=pltpu.SMEM),
        ],
        out_shape=[
            jax.ShapeDtypeStruct((1, 1), jnp.float32),
            jax.ShapeDtypeStruct((1, 1), jnp.float32),
        ],
    )


def kernel(outputs, target):
    ts, tc = _make_tc()(outputs, target)
    p = _make_sc()(outputs, target)
    num = ts[0, 0] + jnp.sum(p[:, 0, :])
    den = tc[0, 0] + jnp.sum(p[:, 1, :])
    return num / den

# --- scband reference (transcript-rebuilt; emitter-appended) ---
"""Pipeline reference for scband-epe-metric-69415261438402 (READ-ONLY COPY).

The authoritative reference and input builder live on the scoring server;
editing this copy changes nothing except your own understanding.
"""

import jax, jax.numpy as jnp
import numpy as np


def setup_inputs(seed: int = 0) -> dict:
    key = jax.random.key(seed)
    k1, k2 = jax.random.split(key)
    outputs = jax.random.normal(k1, (8, 512, 512), dtype=jnp.float32)
    target = jax.random.normal(k2, (8, 512, 512), dtype=jnp.float32)
    return {"outputs": outputs, "target": target}


def reference(outputs, target):
    # mask = target > 0; masked boolean indexing expressed as a
    # masked mean (sum of masked errors / number of valid pixels),
    # which is mathematically identical to torch.mean(err[mask]).
    mask = target > 0
    err = jnp.abs(target - outputs)
    masked_err = jnp.where(mask, err, 0.0)
    denom = jnp.sum(mask.astype(jnp.float32))
    loss = jnp.sum(masked_err) / denom
    return loss

if __name__ == "__main__":
    import jax
    _d = setup_inputs()
    print(jax.jit(kernel)(*tuple(_d.values())))

</pallas_src>

<mosaic_0001>
#map = affine_map<(d0, d1) -> (0, 0, 0)>
module attributes {stable_mosaic.version = 14 : i64} {
  func.func @_sc_body(%arg0: i32, %arg1: i32, %arg2: memref<8x512x512xf32, #tpu.memory_space<hbm>>, %arg3: memref<8x512x512xf32, #tpu.memory_space<hbm>>, %arg4: memref<32x2x16xf32, #tpu.memory_space<hbm>>, %arg5: memref<32x512xf32, #tpu.memory_space<vmem>>, %arg6: memref<32x512xf32, #tpu.memory_space<vmem>>, %arg7: memref<2x16xf32, #tpu.memory_space<vmem>>, %arg8: memref<!tpu.dma_semaphore, #tpu.memory_space<semaphore_mem>>) attributes {dimension_semantics = [#tpu.dimension_semantics<core_parallel>, #tpu.dimension_semantics<subcore_parallel>], iteration_bounds = array<i64: 2, 16>, scalar_prefetch = 0 : i64, scratch_operands = 4 : i64, tpu.core_type = #tpu.core_type<sc_vector_subcore>, window_params = [{transform_indices = #map}, {transform_indices = #map}, {transform_indices = #map}]} {
    %mul3A = arith.constant 2 : i32
    %mul3A_0 = arith.muli %arg1, %mul3A : i32
    %add3A = arith.addi %mul3A_0, %arg0 : i32
    %jit3A = arith.constant 4 : i32
    %div3A = arith.divsi %add3A, %jit3A : i32
    %sign3A = arith.constant 0 : i32
    %sign3A_1 = arith.cmpi sgt, %add3A, %sign3A : i32
    %sign3A_2 = arith.extui %sign3A_1 : i1 to i32
    %sign3A_3 = arith.constant 0 : i32
    %sign3A_4 = arith.cmpi slt, %add3A, %sign3A_3 : i32
    %sign3A_5 = arith.extui %sign3A_4 : i1 to i32
    %sign3A_6 = arith.subi %sign3A_2, %sign3A_5 : i32
    %sign3A_7 = arith.constant 0 : i32
    %sign3A_8 = arith.cmpi sgt, %jit3A, %sign3A_7 : i32
    %sign3A_9 = arith.extui %sign3A_8 : i1 to i32
    %sign3A_10 = arith.constant 0 : i32
    %sign3A_11 = arith.cmpi slt, %jit3A, %sign3A_10 : i32
    %sign3A_12 = arith.extui %sign3A_11 : i1 to i32
    %sign3A_13 = arith.subi %sign3A_9, %sign3A_12 : i32
    %ne3A = arith.cmpi ne, %sign3A_6, %sign3A_13 : i32
    %rem3A = arith.remsi %add3A, %jit3A : i32
    %ne3A_14 = arith.constant 0 : i32
    %ne3A_15 = arith.cmpi ne, %rem3A, %ne3A_14 : i32
    %and3A = arith.andi %ne3A, %ne3A_15 : i1
    %sub3A = arith.constant 1 : i32
    %sub3A_16 = arith.subi %div3A, %sub3A : i32
    %select_n3A = arith.select %and3A, %sub3A_16, %div3A : i32
    %jit3A_17 = arith.constant 4 : i32
    %eq3A = arith.constant 0 : i32
    %eq3A_18 = arith.cmpi eq, %jit3A_17, %eq3A : i32
    %jit3A_19 = arith.constant 1 : i32
    %select_n3A_20 = arith.select %eq3A_18, %jit3A_19, %jit3A_17 : i32
    %rem3A_21 = arith.remsi %add3A, %select_n3A_20 : i32
    %ne3A_22 = arith.constant 0 : i32
    %ne3A_23 = arith.cmpi ne, %rem3A_21, %ne3A_22 : i32
    %lt3A = arith.constant 0 : i32
    %lt3A_24 = arith.cmpi slt, %rem3A_21, %lt3A : i32
    %lt3A_25 = arith.constant 0 : i32
    %lt3A_26 = arith.cmpi slt, %select_n3A_20, %lt3A_25 : i32
    %ne3A_27 = arith.xori %lt3A_24, %lt3A_26 : i1
    %and3A_28 = arith.andi %ne3A_27, %ne3A_23 : i1
    %add3A_29 = arith.addi %rem3A_21, %select_n3A_20 : i32
    %select_n3A_30 = arith.select %and3A_28, %add3A_29, %rem3A_21 : i32
    %mul3A_31 = arith.constant 32 : i32
    %mul3A_32 = arith.muli %select_n3A_30, %mul3A_31 : i32
    %add3A_33 = arith.constant 384 : i32
    %add3A_34 = arith.addi %add3A_33, %mul3A_32 : i32
    %dma_start3A = arith.constant 0 : i32
    %dma_start3A_35 = tpu.memref_slice %arg2[%select_n3A, %add3A_34, %dma_start3A] : memref<8x512x512xf32, #tpu.memory_space<hbm>> -> memref<1x32x512xf32, #tpu.memory_space<hbm>>
    %dma_start3A_36 = tpu.memref_squeeze %dma_start3A_35 : memref<1x32x512xf32, #tpu.memory_space<hbm>> -> memref<32x512xf32, #tpu.memory_space<hbm>>
    %dma_start3A_37 = arith.constant 0 : i32
    %dma_start3A_38 = tpu.memref_slice %arg2[%select_n3A, %add3A_34, %dma_start3A_37] : memref<8x512x512xf32, #tpu.memory_space<hbm>> -> memref<1x32x512xf32, #tpu.memory_space<hbm>>
    %dma_start3A_39 = tpu.memref_squeeze %dma_start3A_38 : memref<1x32x512xf32, #tpu.memory_space<hbm>> -> memref<32x512xf32, #tpu.memory_space<hbm>>
    tpu.enqueue_dma source(%dma_start3A_39 : memref<32x512xf32, #tpu.memory_space<hbm>>) target(%arg5 : memref<32x512xf32, #tpu.memory_space<vmem>>) target_semaphore(%arg8 : memref<!tpu.dma_semaphore, #tpu.memory_space<semaphore_mem>>)
    %dma_start3A_40 = arith.constant 0 : i32
    %dma_start3A_41 = tpu.memref_slice %arg3[%select_n3A, %add3A_34, %dma_start3A_40] : memref<8x512x512xf32, #tpu.memory_space<hbm>> -> memref<1x32x512xf32, #tpu.memory_space<hbm>>
    %dma_start3A_42 = tpu.memref_squeeze %dma_start3A_41 : memref<1x32x512xf32, #tpu.memory_space<hbm>> -> memref<32x512xf32, #tpu.memory_space<hbm>>
    %dma_start3A_43 = arith.constant 0 : i32
    %dma_start3A_44 = tpu.memref_slice %arg3[%select_n3A, %add3A_34, %dma_start3A_43] : memref<8x512x512xf32, #tpu.memory_space<hbm>> -> memref<1x32x512xf32, #tpu.memory_space<hbm>>
    %dma_start3A_45 = tpu.memref_squeeze %dma_start3A_44 : memref<1x32x512xf32, #tpu.memory_space<hbm>> -> memref<32x512xf32, #tpu.memory_space<hbm>>
    tpu.enqueue_dma source(%dma_start3A_45 : memref<32x512xf32, #tpu.memory_space<hbm>>) target(%arg6 : memref<32x512xf32, #tpu.memory_space<vmem>>) target_semaphore(%arg8 : memref<!tpu.dma_semaphore, #tpu.memory_space<semaphore_mem>>)
    %dma_wait3A = arith.constant 0 : i32
    %dma_wait3A_46 = tpu.memref_slice %arg2[%select_n3A, %add3A_34, %dma_wait3A] : memref<8x512x512xf32, #tpu.memory_space<hbm>> -> memref<1x32x512xf32, #tpu.memory_space<hbm>>
    %dma_wait3A_47 = tpu.memref_squeeze %dma_wait3A_46 : memref<1x32x512xf32, #tpu.memory_space<hbm>> -> memref<32x512xf32, #tpu.memory_space<hbm>>
    %dma_wait3A_48 = arith.constant 0 : i32
    %dma_wait3A_49 = tpu.memref_slice %arg2[%select_n3A, %add3A_34, %dma_wait3A_48] : memref<8x512x512xf32, #tpu.memory_space<hbm>> -> memref<1x32x512xf32, #tpu.memory_space<hbm>>
    %dma_wait3A_50 = tpu.memref_squeeze %dma_wait3A_49 : memref<1x32x512xf32, #tpu.memory_space<hbm>> -> memref<32x512xf32, #tpu.memory_space<hbm>>
    tpu.wait_dma2 semaphore(%arg8 : memref<!tpu.dma_semaphore, #tpu.memory_space<semaphore_mem>>) src(%dma_wait3A_50 : memref<32x512xf32, #tpu.memory_space<hbm>>) dst(%arg5 : memref<32x512xf32, #tpu.memory_space<vmem>>)
    %dma_wait3A_51 = arith.constant 0 : i32
    %dma_wait3A_52 = tpu.memref_slice %arg3[%select_n3A, %add3A_34, %dma_wait3A_51] : memref<8x512x512xf32, #tpu.memory_space<hbm>> -> memref<1x32x512xf32, #tpu.memory_space<hbm>>
    %dma_wait3A_53 = tpu.memref_squeeze %dma_wait3A_52 : memref<1x32x512xf32, #tpu.memory_space<hbm>> -> memref<32x512xf32, #tpu.memory_space<hbm>>
    %dma_wait3A_54 = arith.constant 0 : i32
    %dma_wait3A_55 = tpu.memref_slice %arg3[%select_n3A, %add3A_34, %dma_wait3A_54] : memref<8x512x512xf32, #tpu.memory_space<hbm>> -> memref<1x32x512xf32, #tpu.memory_space<hbm>>
    %dma_wait3A_56 = tpu.memref_squeeze %dma_wait3A_55 : memref<1x32x512xf32, #tpu.memory_space<hbm>> -> memref<32x512xf32, #tpu.memory_space<hbm>>
    tpu.wait_dma2 semaphore(%arg8 : memref<!tpu.dma_semaphore, #tpu.memory_space<semaphore_mem>>) src(%dma_wait3A_56 : memref<32x512xf32, #tpu.memory_space<hbm>>) dst(%arg6 : memref<32x512xf32, #tpu.memory_space<vmem>>)
    %broadcast_in_dim3A = arith.constant 0.000000e+00 : f32
    %broadcast_in_dim3A_57 = vector.broadcast %broadcast_in_dim3A : f32 to vector<16xf32>
    %scan3A = arith.constant 0 : i32
    %scan3A_58 = arith.constant 512 : i32
    %scan3A_59 = arith.addi %scan3A, %scan3A_58 : i32
    %scan3A_60 = arith.constant 1 : i32
    %scan3A_61:4 = scf.for %scan3A_76 = %scan3A to %scan3A_59 step %scan3A_60 iter_args(%scan3A_77 = %broadcast_in_dim3A_57, %scan3A_78 = %broadcast_in_dim3A_57, %scan3A_79 = %broadcast_in_dim3A_57, %scan3A_80 = %broadcast_in_dim3A_57) -> (vector<16xf32>, vector<16xf32>, vector<16xf32>, vector<16xf32>)  : i32 {
      %mul3A_81 = arith.constant 32 : i32
      %mul3A_82 = arith.muli %scan3A_76, %mul3A_81 : i32
      %add3A_83 = arith.constant 0 : i32
      %add3A_84 = arith.addi %mul3A_82, %add3A_83 : i32
      %jit3A_85 = arith.constant 512 : i32
      %div3A_86 = arith.divsi %add3A_84, %jit3A_85 : i32
      %sign3A_87 = arith.constant 0 : i32
      %sign3A_88 = arith.cmpi sgt, %add3A_84, %sign3A_87 : i32
      %sign3A_89 = arith.extui %sign3A_88 : i1 to i32
      %sign3A_90 = arith.constant 0 : i32
      %sign3A_91 = arith.cmpi slt, %add3A_84, %sign3A_90 : i32
      %sign3A_92 = arith.extui %sign3A_91 : i1 to i32
      %sign3A_93 = arith.subi %sign3A_89, %sign3A_92 : i32
      %sign3A_94 = arith.constant 0 : i32
      %sign3A_95 = arith.cmpi sgt, %jit3A_85, %sign3A_94 : i32
      %sign3A_96 = arith.extui %sign3A_95 : i1 to i32
      %sign3A_97 = arith.constant 0 : i32
      %sign3A_98 = arith.cmpi slt, %jit3A_85, %sign3A_97 : i32
      %sign3A_99 = arith.extui %sign3A_98 : i1 to i32
      %sign3A_100 = arith.subi %sign3A_96, %sign3A_99 : i32
      %ne3A_101 = arith.cmpi ne, %sign3A_93, %sign3A_100 : i32
      %rem3A_102 = arith.remsi %add3A_84, %jit3A_85 : i32
      %ne3A_103 = arith.constant 0 : i32
      %ne3A_104 = arith.cmpi ne, %rem3A_102, %ne3A_103 : i32
      %and3A_105 = arith.andi %ne3A_101, %ne3A_104 : i1
      %sub3A_106 = arith.constant 1 : i32
      %sub3A_107 = arith.subi %div3A_86, %sub3A_106 : i32
      %select_n3A_108 = arith.select %and3A_105, %sub3A_107, %div3A_86 : i32
      %jit3A_109 = arith.constant 512 : i32
      %eq3A_110 = arith.constant 0 : i32
      %eq3A_111 = arith.cmpi eq, %jit3A_109, %eq3A_110 : i32
      %jit3A_112 = arith.constant 1 : i32
      %select_n3A_113 = arith.select %eq3A_111, %jit3A_112, %jit3A_109 : i32
      %rem3A_114 = arith.remsi %add3A_84, %select_n3A_113 : i32
      %ne3A_115 = arith.constant 0 : i32
      %ne3A_116 = arith.cmpi ne, %rem3A_114, %ne3A_115 : i32
      %lt3A_117 = arith.constant 0 : i32
      %lt3A_118 = arith.cmpi slt, %rem3A_114, %lt3A_117 : i32
      %lt3A_119 = arith.constant 0 : i32
      %lt3A_120 = arith.cmpi slt, %select_n3A_113, %lt3A_119 : i32
      %ne3A_121 = arith.xori %lt3A_118, %lt3A_120 : i1
      %and3A_122 = arith.andi %ne3A_121, %ne3A_116 : i1
      %add3A_123 = arith.addi %rem3A_114, %select_n3A_113 : i32
      %select_n3A_124 = arith.select %and3A_122, %add3A_123, %rem3A_114 : i32
      %get3A = arith.index_cast %select_n3A_108 : i32 to index
      %get3A_125 = arith.index_cast %select_n3A_124 : i32 to index
      %get3A_126 = tpu.vector_load %arg6[%get3A, %get3A_125] {strides = array<i32>} : memref<32x512xf32, #tpu.memory_space<vmem>>, vector<1x16xf32>,
      %get3A_127 = vector.shape_cast %get3A_126 : vector<1x16xf32> to vector<16xf32>
      %get3A_128 = arith.index_cast %select_n3A_108 : i32 to index
      %get3A_129 = arith.index_cast %select_n3A_124 : i32 to index
      %get3A_130 = tpu.vector_load %arg5[%get3A_128, %get3A_129] {strides = array<i32>} : memref<32x512xf32, #tpu.memory_space<vmem>>, vector<1x16xf32>,
      %get3A_131 = vector.shape_cast %get3A_130 : vector<1x16xf32> to vector<16xf32>
      %gt3A = arith.constant 0.000000e+00 : f32
      %gt3A_132 = vector.broadcast %gt3A : f32 to vector<16xf32>
      %gt3A_133 = arith.cmpf ogt, %get3A_127, %gt3A_132 : vector<16xf32>
      %sub3A_134 = arith.subf %get3A_127, %get3A_131 : vector<16xf32>
      %abs3A = math.absf %sub3A_134 : vector<16xf32>
      %jit3A_135 = arith.constant 0.000000e+00 : f32
      %broadcast_in_dim3A_136 = vector.broadcast %jit3A_135 : f32 to vector<16xf32>
      %select_n3A_137 = arith.select %gt3A_133, %abs3A, %broadcast_in_dim3A_136 : vector<16xi1>, vector<16xf32>
      %jit3A_138 = arith.constant 1.000000e+00 : f32
      %jit3A_139 = arith.constant 0.000000e+00 : f32
      %broadcast_in_dim3A_140 = vector.broadcast %jit3A_138 : f32 to vector<16xf32>
      %broadcast_in_dim3A_141 = vector.broadcast %jit3A_139 : f32 to vector<16xf32>
      %select_n3A_142 = arith.select %gt3A_133, %broadcast_in_dim3A_140, %broadcast_in_dim3A_141 : vector<16xi1>, vector<16xf32>
      %add3A_143 = arith.addf %scan3A_77, %select_n3A_137 : vector<16xf32>
      %add3A_144 = arith.addf %scan3A_79, %select_n3A_142 : vector<16xf32>
      %add3A_145 = arith.constant 16 : i32
      %add3A_146 = arith.addi %mul3A_82, %add3A_145 : i32
      %jit3A_147 = arith.constant 512 : i32
      %div3A_148 = arith.divsi %add3A_146, %jit3A_147 : i32
      %sign3A_149 = arith.constant 0 : i32
      %sign3A_150 = arith.cmpi sgt, %add3A_146, %sign3A_149 : i32
      %sign3A_151 = arith.extui %sign3A_150 : i1 to i32
      %sign3A_152 = arith.constant 0 : i32
      %sign3A_153 = arith.cmpi slt, %add3A_146, %sign3A_152 : i32
      %sign3A_154 = arith.extui %sign3A_153 : i1 to i32
      %sign3A_155 = arith.subi %sign3A_151, %sign3A_154 : i32
      %sign3A_156 = arith.constant 0 : i32
      %sign3A_157 = arith.cmpi sgt, %jit3A_147, %sign3A_156 : i32
      %sign3A_158 = arith.extui %sign3A_157 : i1 to i32
      %sign3A_159 = arith.constant 0 : i32
      %sign3A_160 = arith.cmpi slt, %jit3A_147, %sign3A_159 : i32
      %sign3A_161 = arith.extui %sign3A_160 : i1 to i32
      %sign3A_162 = arith.subi %sign3A_158, %sign3A_161 : i32
      %ne3A_163 = arith.cmpi ne, %sign3A_155, %sign3A_162 : i32
      %rem3A_164 = arith.remsi %add3A_146, %jit3A_147 : i32
      %ne3A_165 = arith.constant 0 : i32
      %ne3A_166 = arith.cmpi ne, %rem3A_164, %ne3A_165 : i32
      %and3A_167 = arith.andi %ne3A_163, %ne3A_166 : i1
      %sub3A_168 = arith.constant 1 : i32
      %sub3A_169 = arith.subi %div3A_148, %sub3A_168 : i32
      %select_n3A_170 = arith.select %and3A_167, %sub3A_169, %div3A_148 : i32
      %jit3A_171 = arith.constant 512 : i32
      %eq3A_172 = arith.constant 0 : i32
      %eq3A_173 = arith.cmpi eq, %jit3A_171, %eq3A_172 : i32
      %jit3A_174 = arith.constant 1 : i32
      %select_n3A_175 = arith.select %eq3A_173, %jit3A_174, %jit3A_171 : i32
      %rem3A_176 = arith.remsi %add3A_146, %select_n3A_175 : i32
      %ne3A_177 = arith.constant 0 : i32
      %ne3A_178 = arith.cmpi ne, %rem3A_176, %ne3A_177 : i32
      %lt3A_179 = arith.constant 0 : i32
      %lt3A_180 = arith.cmpi slt, %rem3A_176, %lt3A_179 : i32
      %lt3A_181 = arith.constant 0 : i32
      %lt3A_182 = arith.cmpi slt, %select_n3A_175, %lt3A_181 : i32
      %ne3A_183 = arith.xori %lt3A_180, %lt3A_182 : i1
      %and3A_184 = arith.andi %ne3A_183, %ne3A_178 : i1
      %add3A_185 = arith.addi %rem3A_176, %select_n3A_175 : i32
      %select_n3A_186 = arith.select %and3A_184, %add3A_185, %rem3A_176 : i32
      %get3A_187 = arith.index_cast %select_n3A_170 : i32 to index
      %get3A_188 = arith.index_cast %select_n3A_186 : i32 to index
      %get3A_189 = tpu.vector_load %arg6[%get3A_187, %get3A_188] {strides = array<i32>} : memref<32x512xf32, #tpu.memory_space<vmem>>, vector<1x16xf32>,
      %get3A_190 = vector.shape_cast %get3A_189 : vector<1x16xf32> to vector<16xf32>
      %get3A_191 = arith.index_cast %select_n3A_170 : i32 to index
      %get3A_192 = arith.index_cast %select_n3A_186 : i32 to index
      %get3A_193 = tpu.vector_load %arg5[%get3A_191, %get3A_192] {strides = array<i32>} : memref<32x512xf32, #tpu.memory_space<vmem>>, vector<1x16xf32>,
      %get3A_194 = vector.shape_cast %get3A_193 : vector<1x16xf32> to vector<16xf32>
      %gt3A_195 = arith.constant 0.000000e+00 : f32
      %gt3A_196 = vector.broadcast %gt3A_195 : f32 to vector<16xf32>
      %gt3A_197 = arith.cmpf ogt, %get3A_190, %gt3A_196 : vector<16xf32>
      %sub3A_198 = arith.subf %get3A_190, %get3A_194 : vector<16xf32>
      %abs3A_199 = math.absf %sub3A_198 : vector<16xf32>
      %jit3A_200 = arith.constant 0.000000e+00 : f32
      %broadcast_in_dim3A_201 = vector.broadcast %jit3A_200 : f32 to vector<16xf32>
      %select_n3A_202 = arith.select %gt3A_197, %abs3A_199, %broadcast_in_dim3A_201 : vector<16xi1>, vector<16xf32>
      %jit3A_203 = arith.constant 1.000000e+00 : f32
      %jit3A_204 = arith.constant 0.000000e+00 : f32
      %broadcast_in_dim3A_205 = vector.broadcast %jit3A_203 : f32 to vector<16xf32>
      %broadcast_in_dim3A_206 = vector.broadcast %jit3A_204 : f32 to vector<16xf32>
      %select_n3A_207 = arith.select %gt3A_197, %broadcast_in_dim3A_205, %broadcast_in_dim3A_206 : vector<16xi1>, vector<16xf32>
      %add3A_208 = arith.addf %scan3A_78, %select_n3A_202 : vector<16xf32>
      %add3A_209 = arith.addf %scan3A_80, %select_n3A_207 : vector<16xf32>
      scf.yield %add3A_143, %add3A_208, %add3A_144, %add3A_209 : vector<16xf32>, vector<16xf32>, vector<16xf32>, vector<16xf32>
    }
    %scan3A_62 = arith.constant 512 : i32
    %add3A_63 = arith.addf %scan3A_61#0, %scan3A_61#1 : vector<16xf32>
    %swap3A = arith.constant 0 : i32
    %swap3A_64 = arith.index_cast %swap3A : i32 to index
    %swap3A_65 = arith.constant 0 : index
    %swap3A_66 = tpu.vector_load %arg7[%swap3A_64, %swap3A_65] {strides = array<i32>} : memref<2x16xf32, #tpu.memory_space<vmem>>, vector<1x16xf32>,
    %swap3A_67 = vector.shape_cast %swap3A_66 : vector<1x16xf32> to vector<16xf32>
    %swap3A_68 = vector.shape_cast %add3A_63 : vector<16xf32> to vector<1x16xf32>
    tpu.vector_store %arg7[%swap3A_64, %swap3A_65], %swap3A_68 {strides = array<i32>} : memref<2x16xf32, #tpu.memory_space<vmem>>, vector<1x16xf32>,
    %add3A_69 = arith.addf %scan3A_61#2, %scan3A_61#3 : vector<16xf32>
    %swap3A_70 = arith.constant 1 : i32
    %swap3A_71 = arith.index_cast %swap3A_70 : i32 to index
    %swap3A_72 = arith.constant 0 : index
    %swap3A_73 = tpu.vector_load %arg7[%swap3A_71, %swap3A_72] {strides = array<i32>} : memref<2x16xf32, #tpu.memory_space<vmem>>, vector<1x16xf32>,
    %swap3A_74 = vector.shape_cast %swap3A_73 : vector<1x16xf32> to vector<16xf32>
    %swap3A_75 = vector.shape_cast %add3A_69 : vector<16xf32> to vector<1x16xf32>
    tpu.vector_store %arg7[%swap3A_71, %swap3A_72], %swap3A_75 {strides = array<i32>} : memref<2x16xf32, #tpu.memory_space<vmem>>, vector<1x16xf32>,
    "tpu.region"() ({
      %run_scoped3A = tpu.sem_alloc : memref<!tpu.dma_semaphore, #tpu.memory_space<semaphore_mem>>
      %dma_start3A_76 = arith.constant 0 : i32
      %dma_start3A_77 = arith.constant 0 : i32
      %dma_start3A_78 = tpu.memref_slice %arg4[%add3A, %dma_start3A_76, %dma_start3A_77] : memref<32x2x16xf32, #tpu.memory_space<hbm>> -> memref<1x2x16xf32, #tpu.memory_space<hbm>>
      %dma_start3A_79 = tpu.memref_squeeze %dma_start3A_78 : memref<1x2x16xf32, #tpu.memory_space<hbm>> -> memref<2x16xf32, #tpu.memory_space<hbm>>
      %dma_start3A_80 = arith.constant 0 : i32
      %dma_start3A_81 = arith.constant 0 : i32
      %dma_start3A_82 = tpu.memref_slice %arg4[%add3A, %dma_start3A_80, %dma_start3A_81] : memref<32x2x16xf32, #tpu.memory_space<hbm>> -> memref<1x2x16xf32, #tpu.memory_space<hbm>>
      %dma_start3A_83 = tpu.memref_squeeze %dma_start3A_82 : memref<1x2x16xf32, #tpu.memory_space<hbm>> -> memref<2x16xf32, #tpu.memory_space<hbm>>
      tpu.enqueue_dma source(%arg7 : memref<2x16xf32, #tpu.memory_space<vmem>>) target(%dma_start3A_83 : memref<2x16xf32, #tpu.memory_space<hbm>>) target_semaphore(%run_scoped3A : memref<!tpu.dma_semaphore, #tpu.memory_space<semaphore_mem>>)
      %dma_wait3A_84 = arith.constant 0 : i32
      %dma_wait3A_85 = arith.constant 0 : i32
      %dma_wait3A_86 = tpu.memref_slice %arg4[%add3A, %dma_wait3A_84, %dma_wait3A_85] : memref<32x2x16xf32, #tpu.memory_space<hbm>> -> memref<1x2x16xf32, #tpu.memory_space<hbm>>
      %dma_wait3A_87 = tpu.memref_squeeze %dma_wait3A_86 : memref<1x2x16xf32, #tpu.memory_space<hbm>> -> memref<2x16xf32, #tpu.memory_space<hbm>>
      %dma_wait3A_88 = arith.constant 0 : i32
      %dma_wait3A_89 = arith.constant 0 : i32
      %dma_wait3A_90 = tpu.memref_slice %arg4[%add3A, %dma_wait3A_88, %dma_wait3A_89] : memref<32x2x16xf32, #tpu.memory_space<hbm>> -> memref<1x2x16xf32, #tpu.memory_space<hbm>>
      %dma_wait3A_91 = tpu.memref_squeeze %dma_wait3A_90 : memref<1x2x16xf32, #tpu.memory_space<hbm>> -> memref<2x16xf32, #tpu.memory_space<hbm>>
      tpu.wait_dma2 semaphore(%run_scoped3A : memref<!tpu.dma_semaphore, #tpu.memory_space<semaphore_mem>>) src(%arg7 : memref<2x16xf32, #tpu.memory_space<vmem>>) dst(%dma_wait3A_91 : memref<2x16xf32, #tpu.memory_space<hbm>>)
      tpu.yield
    }) : () -> ()
    return
  }
}

module attributes {stable_mosaic.version = 14 : i64} {
  func.func @_tc_body(%arg0: i32, %arg1: memref<1x384x512xf32, #tpu.memory_space<vmem>>, %arg2: memref<1x384x512xf32, #tpu.memory_space<vmem>>, %arg3: memref<1x1xf32, #tpu.memory_space<smem>>, %arg4: memref<1x1xf32, #tpu.memory_space<smem>>) attributes {dimension_semantics = [#tpu.dimension_semantics<arbitrary>], iteration_bounds = array<i64: 8>, scalar_prefetch = 0 : i64, scratch_operands = 0 : i64, tpu.core_type = #tpu.core_type<tc>, window_params = [{transform_indices = @transform_0, window_bounds = array<i64: 1, 384, 512>}, {transform_indices = @transform_1, window_bounds = array<i64: 1, 384, 512>}, {transform_indices = @transform_2, window_bounds = array<i64: 1, 1>}, {transform_indices = @transform_3, window_bounds = array<i64: 1, 1>}]} {
    %get3A = arith.constant 0 : index
    %get3A_0 = arith.constant 0 : index
    %get3A_1 = arith.constant 0 : index
    %get3A_2 = vector.load %arg2[%get3A, %get3A_0, %get3A_1] : memref<1x384x512xf32, #tpu.memory_space<vmem>>, vector<1x384x512xf32>
    %get3A_3 = vector.shape_cast %get3A_2 : vector<1x384x512xf32> to vector<384x512xf32>
    %get3A_4 = arith.constant 0 : index
    %get3A_5 = arith.constant 0 : index
    %get3A_6 = arith.constant 0 : index
    %get3A_7 = vector.load %arg1[%get3A_4, %get3A_5, %get3A_6] : memref<1x384x512xf32, #tpu.memory_space<vmem>>, vector<1x384x512xf32>
    %get3A_8 = vector.shape_cast %get3A_7 : vector<1x384x512xf32> to vector<384x512xf32>
    %gt3A = arith.constant 0.000000e+00 : f32
    %gt3A_9 = vector.broadcast %gt3A : f32 to vector<384x512xf32>
    %gt3A_10 = arith.cmpf ogt, %get3A_3, %gt3A_9 : vector<384x512xf32>
    %sub3A = arith.subf %get3A_3, %get3A_8 : vector<384x512xf32>
    %abs3A = math.absf %sub3A : vector<384x512xf32>
    %jit3A = arith.constant 0.000000e+00 : f32
    %broadcast_in_dim3A = vector.broadcast %jit3A : f32 to vector<384x512xf32>
    %select_n3A = arith.select %gt3A_10, %abs3A, %broadcast_in_dim3A : vector<384x512xi1>, vector<384x512xf32>
    %jit3A_11 = arith.constant 1.000000e+00 : f32
    %jit3A_12 = arith.constant 0.000000e+00 : f32
    %broadcast_in_dim3A_13 = vector.broadcast %jit3A_11 : f32 to vector<384x512xf32>
    %broadcast_in_dim3A_14 = vector.broadcast %jit3A_12 : f32 to vector<384x512xf32>
    %select_n3A_15 = arith.select %gt3A_10, %broadcast_in_dim3A_13, %broadcast_in_dim3A_14 : vector<384x512xi1>, vector<384x512xf32>
    %eq3A = arith.constant 0 : i32
    %eq3A_16 = arith.cmpi eq, %arg0, %eq3A : i32
    %convert_element_type3A = arith.extui %eq3A_16 : i1 to i32
    %cond3A = arith.constant 0 : i32
    %cond3A_17 = arith.cmpi ne, %convert_element_type3A, %cond3A : i32
    scf.if %cond3A_17 {
      %swap3A_39 = arith.constant 0.000000e+00 : f32
      %swap3A_40 = arith.constant 0 : index
      %swap3A_41 = arith.constant 0 : index
      %swap3A_42 = memref.load %arg3[%swap3A_40, %swap3A_41] : memref<1x1xf32, #tpu.memory_space<smem>>
      memref.store %swap3A_39, %arg3[%swap3A_40, %swap3A_41] : memref<1x1xf32, #tpu.memory_space<smem>>
      %swap3A_43 = arith.constant 0.000000e+00 : f32
      %swap3A_44 = arith.constant 0 : index
      %swap3A_45 = arith.constant 0 : index
      %swap3A_46 = memref.load %arg4[%swap3A_44, %swap3A_45] : memref<1x1xf32, #tpu.memory_space<smem>>
      memref.store %swap3A_43, %arg4[%swap3A_44, %swap3A_45] : memref<1x1xf32, #tpu.memory_space<smem>>
    } else {
    }
    %get3A_18 = arith.constant 0 : index
    %get3A_19 = arith.constant 0 : index
    %get3A_20 = memref.load %arg3[%get3A_18, %get3A_19] : memref<1x1xf32, #tpu.memory_space<smem>>
    %reduce_sum3A = vector.shape_cast %select_n3A : vector<384x512xf32> to vector<1x384x512xf32>
    %reduce_sum3A_21 = arith.constant dense<0.000000e+00> : vector<1xf32>
    %reduce_sum3A_22 = vector.multi_reduction <add>, %reduce_sum3A, %reduce_sum3A_21 [1, 2] : vector<1x384x512xf32> to vector<1xf32>
    %reduce_sum3A_23 = vector.shape_cast %reduce_sum3A_22 : vector<1xf32> to vector<1x1x1xf32>
    %reduce_sum3A_24 = vector.extract %reduce_sum3A_23[0, 0, 0] : f32 from vector<1x1x1xf32>
    %add3A = arith.addf %get3A_20, %reduce_sum3A_24 : f32
    %swap3A = arith.constant 0 : index
    %swap3A_25 = arith.constant 0 : index
    %swap3A_26 = memref.load %arg3[%swap3A, %swap3A_25] : memref<1x1xf32, #tpu.memory_space<smem>>
    memref.store %add3A, %arg3[%swap3A, %swap3A_25] : memref<1x1xf32, #tpu.memory_space<smem>>
    %get3A_27 = arith.constant 0 : index
    %get3A_28 = arith.constant 0 : index
    %get3A_29 = memref.load %arg4[%get3A_27, %get3A_28] : memref<1x1xf32, #tpu.memory_space<smem>>
    %reduce_sum3A_30 = vector.shape_cast %select_n3A_15 : vector<384x512xf32> to vector<1x384x512xf32>
    %reduce_sum3A_31 = arith.constant dense<0.000000e+00> : vector<1xf32>
    %reduce_sum3A_32 = vector.multi_reduction <add>, %reduce_sum3A_30, %reduce_sum3A_31 [1, 2] : vector<1x384x512xf32> to vector<1xf32>
    %reduce_sum3A_33 = vector.shape_cast %reduce_sum3A_32 : vector<1xf32> to vector<1x1x1xf32>
    %reduce_sum3A_34 = vector.extract %reduce_sum3A_33[0, 0, 0] : f32 from vector<1x1x1xf32>
    %add3A_35 = arith.addf %get3A_29, %reduce_sum3A_34 : f32
    %swap3A_36 = arith.constant 0 : index
    %swap3A_37 = arith.constant 0 : index
    %swap3A_38 = memref.load %arg4[%swap3A_36, %swap3A_37] : memref<1x1xf32, #tpu.memory_space<smem>>
    memref.store %add3A_35, %arg4[%swap3A_36, %swap3A_37] : memref<1x1xf32, #tpu.memory_space<smem>>
    return
  }
  func.func @transform_0(%arg0: i32) -> (i32, i32, i32) {
    %c0_i32 = arith.constant 0 : i32
    %c0_i32_0 = arith.constant 0 : i32
    %c0_i32_1 = arith.constant 0 : i32
    return %arg0, %c0_i32, %c0_i32_0 : i32, i32, i32
  }
  func.func @transform_1(%arg0: i32) -> (i32, i32, i32) {
    %c0_i32 = arith.constant 0 : i32
    %c0_i32_0 = arith.constant 0 : i32
    %c0_i32_1 = arith.constant 0 : i32
    return %arg0, %c0_i32, %c0_i32_0 : i32, i32, i32
  }
  func.func @transform_2(%arg0: i32) -> (i32, i32) {
    %c0_i32 = arith.constant 0 : i32
    %c0_i32_0 = arith.constant 0 : i32
    %c0_i32_1 = arith.constant 0 : i32
    return %c0_i32, %c0_i32_0 : i32, i32
  }
  func.func @transform_3(%arg0: i32) -> (i32, i32) {
    %c0_i32 = arith.constant 0 : i32
    %c0_i32_0 = arith.constant 0 : i32
    %c0_i32_1 = arith.constant 0 : i32
    return %c0_i32, %c0_i32_0 : i32, i32
  }
}

</mosaic_0001>

<sc_bundles>
// kernel: kernel.4.cloned.1.call-start
scs
__scs_entry_jumppad:
0x0: {  	(pc) =	sbr.rel $0x88, $3  }
0x1: {  	(tag) =	ssettag $0x0;
	lr =	simm.s32 $0x1  }
0x2: {  	[smem:$0x3F9F] =	sst lr;
	_ =	strace $0xD0000000  }
0x3: {  	_ = 	snop  }
0x4: {  	_ = 	snop  }
0x5: {  	_ = 	snop  }
0x6: {  	_ = 	snop  }
0x7: {  	_ = 	snop  }
__scs_overlays_trampoline_lowered:
0x8: {  	[smem:$0x3FAE] =	sst s0  }
0x9: {  	[smem:$0x3FAF] =	sst s1  }
0xa: {  	[smem:$0x3FB0] =	sst s2  }
0xb: {  	[smem:$0x3FB1] =	sst s3  }
0xc: {  	[smem:$0x3FB2] =	sst s4  }
0xd: {  	[smem:$0x3FB3] =	sst s5  }
0xe: {  	[smem:$0x3FB4] =	sst s6  }
0xf: {  	[smem:$0x3FB5] =	sst s7  }
0x10: {  	[smem:$0x3FB6] =	sst s8  }
0x11: {  	[smem:$0x3FB7] =	sst s9;
	s0 =	simm.s32 @!p0 $0x0  }
0x12: {  	s1 =	sld [smem:$0x3F9D];
	s0 =	simm.s32 @p0 $0x1  }
0x13: {  	[smem:$0x3FB8] =	sst s0;
	s0 =	simm.s32 @!p1 $0x0  }
0x14: {  	s2 =	sld [smem:$0x3F9C];
	s0 =	simm.s32 @p1 $0x1  }
0x15: {  	[smem:$0x3FB9] =	sst s0;
	s0 =	simm.s32 @!p2 $0x0  }
0x16: {  	s3 =	sld [smem:$0x3FDB];
	s0 =	simm.s32 @p2 $0x1  }
0x17: {  	s4 =	simm.s32 $0x1BF5;
	[smem:$0x3FBB] =	sst s0  }
0x18: {  	s0 =	sld [smem:$0x3F9E];
	_ =	swait.ge [sflag:s4], $0x0  }
0x19: {  	s7 =	sld [smem:$0x3F9F]  }
0x1a: {  	s8 =	sadd.s32 $0xFFFFE003, lr  }
0x1b: {  	s9 =	sadd.s32 $0xFFFFFEF7, lr;
	s5 =	simm.s32 $0xFFFFFFFF;
	p2 =	slt.u32 s8, $0xFFFFF086  }
0x1c: {  	p1 =	slt.u32 s9, $0xF7A;
	s5 =	simm.s32 @!p2 $0x0  }
0x1d: {  	s5 =	simm.s32 @p1 $0x1;
	p0 =	seq.s32 s7, s2  }
0x1e: {  	s7 =	smul.u32 @!p0 $0xF7A, s2;
	p2 =	seq.s32 @!p0 s5, $0x0  }
0x1f: {  	s9 =	smul.u32 $0xF7A, s1;
	s8 =	simm.s32 @!p0 $0x1BF5;
	p2 =	por !p2, p0  }
0x20: {  	[sflag:s8] =	ssyncset.s32 @!p0 $0xFFFFF086;
	s6 =	sadd.s32 @!p0 s3, s7;
	s7 =	simm.s32 @!p0 $0x108  }
0x21: {  	s3 =	sadd.s32 s3, s9;
	s6 =	sadd.s32 @!p0 $0x88, s6;
	s7 =	simm.s32 @p2 $0x1082  }
0x22: {  	[simem:s7], [sflag:s8] =	dma.local @!p0 [hbm:s6], $0xF7A  }
0x23: {  	s9 =	sor.u32 $0xD0000000, s2;
	s6 =	simm.s32 $0x108;
	_ =	swait.ge @!p0 [sflag:s8], $0x0  }
0x24: {  	s3 =	sadd.s32 $0x88, s3;
	s6 =	simm.s32 @!p1 $0x1082;
	[sflag:s4] =	ssyncset.s32 $0xFFFFF086  }
0x25: {  	[simem:s6], [sflag:s4] =	dma.local [hbm:s3], $0xF7A  }
0x26: {  	[smem:$0x3F9F] =	sst s1;
	(tag) =	ssettag s2;
	_ =	strace s9  }
0x27: {  	s1 =	sld [smem:$0x3FAF]  }
0x28: {  	s2 =	sld [smem:$0x3FB0]  }
0x29: {  	s4 =	sld [smem:$0x3FB2]  }
0x2a: {  	p0 =	seq.s32 s5, $0x0;
	s5 =	sld [smem:$0x3FB3]  }
0x2b: {  	s6 =	sld [smem:$0x3FB4]  }
0x2c: {  	s7 =	sld [smem:$0x3FB5]  }
0x2d: {  	s3 =	simm.s32 $0x108;
	s8 =	sld [smem:$0x3FB6]  }
0x2e: {  	s3 =	simm.s32 @!p0 $0x1082;
	s9 =	sld [smem:$0x3FB7]  }
0x2f: {  	lr =	sadd.s32 s0, s3;
	s0 =	sld [smem:$0x3FAE]  }
0x30: {  	s3 =	sld [smem:$0x3FB1]  }
0x31: {  	[smem:$0x3FBA] =	sst s10  }
0x32: {  	s10 =	sld [smem:$0x3FB8];
	_ =	sdelay $0x3  }
0x33: {  	p0 =	seq.s32 s10, $0x1;
	s10 =	sld [smem:$0x3FBA];
	_ =	sdelay $0x3  }
0x34: {  	[smem:$0x3FBA] =	sst s10  }
0x35: {  	s10 =	sld [smem:$0x3FB9];
	_ =	sdelay $0x3  }
0x36: {  	p1 =	seq.s32 s10, $0x1;
	s10 =	sld [smem:$0x3FBA];
	_ =	sdelay $0x3  }
0x37: {  	[smem:$0x3FBA] =	sst s10  }
0x38: {  	s10 =	sld [smem:$0x3FBB]  }
0x39: {  	_ = 	snop;
	(pc) =	sbr.ind lr, $3  }
0x3a: {  	_ = 	snop  }
0x3b: {  	_ = 	snop  }
0x3c: {  	p2 =	seq.s32 s10, $0x1;
	s10 =	sld [smem:$0x3FBA]  }
0x3d: {  	_ =	shalt  }
0x3e: {  	_ =	shalt  }
0x3f: {  	_ =	shalt  }
0x40: {  	_ =	shalt  }
0x41: {  	_ =	shalt  }
0x42: {  	_ =	shalt  }
0x43: {  	_ =	shalt  }
0x44: {  	_ =	shalt  }
0x45: {  	_ =	shalt  }
0x46: {  	_ =	shalt  }
0x47: {  	_ =	shalt  }
0x48: {  	_ =	shalt  }
0x49: {  	_ =	shalt  }
0x4a: {  	_ =	shalt  }
0x4b: {  	_ =	shalt  }
0x4c: {  	_ =	shalt  }
0x4d: {  	_ =	shalt  }
0x4e: {  	_ =	shalt  }
0x4f: {  	_ =	shalt  }
0x50: {  	_ =	shalt  }
0x51: {  	_ =	shalt  }
0x52: {  	_ =	shalt  }
0x53: {  	_ =	shalt  }
0x54: {  	_ =	shalt  }
0x55: {  	_ =	shalt  }
0x56: {  	_ =	shalt  }
0x57: {  	_ =	shalt  }
0x58: {  	_ =	shalt  }
0x59: {  	_ =	shalt  }
0x5a: {  	_ =	shalt  }
0x5b: {  	_ =	shalt  }
0x5c: {  	_ =	shalt  }
0x5d: {  	_ =	shalt  }
0x5e: {  	_ =	shalt  }
0x5f: {  	_ =	shalt  }
0x60: {  	_ =	shalt  }
0x61: {  	_ =	shalt  }
0x62: {  	_ =	shalt  }
0x63: {  	_ =	shalt  }
0x64: {  	_ =	shalt  }
0x65: {  	_ =	shalt  }
0x66: {  	_ =	shalt  }
0x67: {  	_ =	shalt  }
0x68: {  	_ =	shalt  }
0x69: {  	_ =	shalt  }
0x6a: {  	_ =	shalt  }
0x6b: {  	_ =	shalt  }
0x6c: {  	_ =	shalt  }
0x6d: {  	_ =	shalt  }
0x6e: {  	_ =	shalt  }
0x6f: {  	_ =	shalt  }
0x70: {  	_ =	shalt  }
0x71: {  	_ =	shalt  }
0x72: {  	_ =	shalt  }
0x73: {  	_ =	shalt  }
0x74: {  	_ =	shalt  }
0x75: {  	_ =	shalt  }
0x76: {  	_ =	shalt  }
0x77: {  	_ =	shalt  }
0x78: {  	_ =	shalt  }
0x79: {  	_ =	shalt  }
0x7a: {  	_ =	shalt  }
0x7b: {  	_ =	shalt  }
0x7c: {  	_ =	shalt  }
0x7d: {  	_ =	shalt  }
0x7e: {  	_ =	shalt  }
0x7f: {  	_ =	shalt  }
0x80: {  	_ =	shalt  }
0x81: {  	_ =	shalt  }
0x82: {  	_ =	shalt  }
0x83: {  	_ =	shalt  }
0x84: {  	_ =	shalt  }
0x85: {  	_ =	shalt  }
0x86: {  	_ =	shalt  }
0x87: {  	_ =	shalt  }
.Lfunc_end0:
.L_simem_size_0:
called_computation_lowered:
.L_overlay_start_0:
0x88: {  	s2 =	sld [smem:$0x3FD9]  }
0x89: {  	s3 =	sld [smem:$0x3FFE];
	_ =	sdelay $0x1  }
0x8a: {  	s1 =	srdreg.scid  }
0x8b: {  	s0 =	sand.u32 $0x1, s1  }
0x8c: {  	s17 =	sshll.u32 s0, $0xA;
	s2 =	sadd.s32 s3, s2  }
0x8d: {  	s2 =	sadd.s32 s2, s17  }
0x8e: {  	[smem:$0x3FC6] =	sst s2  }
0x8f: {  	_ = 	snop  }
0x90: {  	s2 =	sld [smem:$0x3FC9]  }
0x91: {  	s18 =	sld [smem:$0x3FC8];
	(tm) =	ssettm $0x1  }
0x92: {  	s4 =	sld [smem:$0x3FFB];
	_ =	sdelay $0x3  }
0x93: {  	_ =	strace s4  }
0x94: {  	s4 =	sld [smem:$0x3FFC];
	_ =	sdelay $0x3  }
0x95: {  	_ =	strace s4  }
0x96: {  	s4 =	sld [smem:$0x3FFD];
	_ =	sdelay $0x3  }
0x97: {  	_ =	strace s4  }
0x98: {  	_ =	strace $0x8FFFFFFF  }
0x99: {  	s19 =	sld [smem:$0x3FDB];
	_ =	sdelay $0x1  }
0x9a: {  	s5 =	simm.s32 $_scs_section_size  }
0x9b: {  	s6 =	simm.s32 $_size__tile_overlayer_lowered;
	s7 =	simm.s32 $_tile_overlayer_lowered  }
0x9c: {  	s22 =	simm.s32 $0x1BFF;
	s21 =	sshll.u32 s7, $0x1;
	s4 =	sadd.s32 s5, s19  }
0x9d: {  	s8 =	simm.s32 $0x0;
	s20 =	sshll.u32 s6, $0x1;
	s6 =	sadd.s32 s21, s4  }
0x9e: {  	[timem:s8], [sflag:s22] =	dma.local [hbm:s6], s20  }
0x9f: {  	_ =	swait.ge [sflag:s22], s20  }
0xa0: {  	s5 =	ssub.s32 $0x0, s20;
	[sflag:s22] =	ssyncset.done $0x0  }
0xa1: {  	[sflag:s22] =	ssyncadd.s32 s5;
	_ =	sdelay $0x1  }
0xa2: {  	s23 =	simm.s32 $0x1B8B  }
0xa3: {  	_ =	swait.ge [sflag:s23], $0x1  }
0xa4: {  	[sflag:s23] =	ssyncset.done $0x0  }
0xa5: {  	s25 =	simm.s32 $0x1B8E;
	s24 =	sld [smem:$0x3FFE];
	[sflag:s23] =	ssyncadd.s32 $0xFFFFFFFF  }
0xa6: {  	s26 =	simm.s32 $execute0_lowered;
	[smem:$0x3FD2] =	sst s25  }
0xa7: {  	s6 =	sshll.u32 s26, $0x1;
	_ =	strace $0x80000046;
	[dreg:$0x1] =	wrdreg $0xFFFFFFFF  }
0xa8: {  	s28 =	simm.s32 $_size_execute0_lowered;
	s4 =	sadd.s32 s4, s6;
	[dreg:$0x0] =	wrdreg $0x0  }
0xa9: {  	s6 =	sshll.u32 s28, $0x1;
	[dreg:$0x2] =	wrdreg s4  }
0xaa: {  	[dreg:$0x3] =	wrdreg s6  }
0xab: {  	[dreg:$0x4] =	wrdreg $0xC0  }
0xac: {  	_ =	task [dreg:s8], $0x5FFFF  }
0xad: {  	[dreg:$0x1] =	wrdreg $0xFFFFFFFF  }
0xae: {  	[dreg:$0x0] =	wrdreg $0x60  }
0xaf: {  	[dreg:$0x2] =	wrdreg s2  }
0xb0: {  	[dreg:$0x3] =	wrdreg s18  }
0xb1: {  	[dreg:$0x4] =	wrdreg s24  }
0xb2: {  	[dreg:$0x5] =	wrdreg $0x9  }
0xb3: {  	_ =	task.clear_ibuf [dreg:s8], $0x6FFFF;
	_ =	strace $0x90000046  }
0xb4: {  	s29 =	simm.s32 $0x9;
	_ =	strace $0x80000048  }
0xb5: {  	_ =	swait.ge [sflag:s29], $0x1  }
0xb6: {  	[sflag:s29] =	ssyncadd.s32 $0xFFFFFFFF  }
0xb7: {  	_ =	strace $0x90000048  }
0xb8: {  	_ =	sfence  }
0xb9: {  	s30 =	sld [smem:$0x0];
	_ =	sdelay $0x2  }
0xba: {  	s31 =	sshll.u32 s1, $0xD;
	s1 =	sshrl.u32 s1, $0x2  }
0xbb: {  	s3 =	sand.u32 $0x4000, s31;
	s1 =	sadd.s32 s1, s30  }
0xbc: {  	s0 =	sor.u32 s3, s0;
	s1 =	sshll.u32 s1, $0x11  }
0xbd: {  	s0 =	sor.u32 s1, s0  }
0xbe: {  	s0 =	sadd.s32 $0x8F2B, s0  }
0xbf: {  	[sflag:s0] =	ssyncadd.remote.s32 $0x1  }
0xc0: {  	_ =	sfence.sel $0xFFFF  }
0xc1: {  	[dreg:$0x0] =	wrdreg $0xFFFFFFFF;
	(pc) =	sbr.abs _section_cstart, $3  }
0xc2: {  	[dreg:$0x1] =	wrdreg $0xFFFFFFFF  }
0xc3: {  	_ =	task.clear_ibuf [dreg:s8], $0x2FFFF;
	_ =	strace $0x9FFFFFFF  }
0xc4: {  	(tm) =	ssettm $0x7FFFFFFF  }
0xc5: {  	_ =	shalt  }
tec
execute0_lowered:
.L_overlay_start_1:
0x0: {  	(tag) =	ssettag $0x1  }
0x1: {  	s3 =	rddreg [dreg:$0x0]  }
0x2: {  	s4 =	rddreg [dreg:$0x1]  }
0x3: {  	s5 =	rddreg [dreg:$0x2]  }
0x4: {  	s0 =	rddreg [dreg:$0x3]  }
0x5: {  	s6 =	srdreg.scid;
	s1 =	stileid.u32;
	s2 =	simm.s32 $0x0  }
0x6: {  	s11 =	simm.s32 $0x0;
	s6 =	sand.u32 $0x1, s6;
	s7 =	sshll.u32 s1, $0x1  }
0x7: {  	[smem:$0x7FF] =	sst s2;
	s9 =	sshll.u32 s1, $0xE;
	s7 =	sor.u32 s6, s7  }
0x8: {  	_ =	strace $0x80000047;
	s6 =	ssub.s32 $0x2, s6;
	s8 =	sshll.u32 s7, $0xB  }
0x9: {  	s7 =	sshll.u32 s7, $0x5;
	s10 =	sshrl.u32 s6, $0x1;
	s8 =	sand.u32 $0x1800, s8  }
0xa: {  	s5 =	sadd.s32 s7, s5;
	s6 =	ssub.s32 s6, s10;
	s7 =	simm.s32 $0x4000  }
0xb: {  	s10 =	simm.s32 $0x2;
	s8 =	sor.u32 s8, s9;
	s5 =	sadd.s32 $0x200, s5  }
0xc: {  	s6 =	smax.u32 s6, $0x1;
	s9 =	simm.s32 $0x8000;
	s31 =	sor.u32 $0x6000, s8  }
0xd: {  	v0 =	vimm.f32 $0.0e+00;
	s8 =	simm.s32 $0x1;
	s3 =	sadd.s32 s3, s31;
	s4 =	sadd.s32 s4, s31  }
.LBB2_1:
0xe: {  	[tilespmem:s2], [sflag:$0x1] =	stream.linear.gather [hbm4b:s3+s2], $0x4000, $0x38;
	[tilespmem:$0x8100] =	vst v63  }
0xf: {  	_ = 	snop  }
0x10: {  	[tilespmem:s7], [sflag:$0x1] =	stream.linear.gather [hbm4b:s4+s2], $0x4000, $0x38;
	[tilespmem:$0x8100] =	vst v63  }
0x11: {  	_ =	swait.ge [sflag:s8], $0x4000  }
0x12: {  	s12 =	simm.s32 $0x0;
	s13 =	sand.u32 $0xC00, s2;
	[sflag:s8] =	ssyncset.done $0x0  }
0x13: {  	s14 =	simm.s32 $0x0;
	s12 =	sand.u32 $0x3000, s12;
	[sflag:s8] =	ssyncadd.s32 $0xFFFFC000  }
0x14: {  	s28 =	sand.u32 $0x380, s14;
	s12 =	sor.u32 s13, s12;
	_ =	swait.ge [sflag:s8], $0x4000  }
0x15: {  	s29 =	sand.u32 $0x60, s2;
	s12 =	sor.u32 s28, s12;
	[sflag:s8] =	ssyncset.done $0x0  }
0x16: {  	s13 =	sor.u32 s29, s12;
	[sflag:s8] =	ssyncadd.s32 $0xFFFFC000  }
0x17: {  	v7 =	vld [tilespmem:s13+$0x4010]  }
0x18: {  	s30 =	simm.s32 $0x100;
	s31 =	simm.s32 $0x20;
	v1 =	vld [tilespmem:s13+$0x10]  }
0x19: {  	s15 =	simm.s32 $0x8;
	s14 =	sand.u32 $0x3000, s31;
	s12 =	sand.u32 $0xC00, s30  }
0x1a: {  	s15 =	sand.u32 $0x380, s15;
	s14 =	sor.u32 s12, s14;
	s12 =	simm.s32 $0x20;
	v5 =	vld [tilespmem:s13+$0x4000]  }
0x1b: {  	s16 =	sand.u32 $0x60, s12;
	s14 =	sor.u32 s15, s14;
	v8 =	vld [tilespmem:s13+$0x0]  }
0x1c: {  	v2 =	vimm.f32 $0.0e+00;
	v6 =	vimm.f32 $0.0e+00;
	s15 =	sor.u32 s16, s14  }
0x1d: {  	v3 =	vimm.f32 $0.0e+00;
	v4 =	vimm.f32 $0.0e+00;
	s14 =	simm.s32 $0x200;
	s13 =	simm.s32 $0x2;
	v9 =	vsub.f32 v7, v1;
	v1 =	vld [tilespmem:s15+$0x4010]  }
.LBB2_2:
0x1e: {  	s16 =	sshll.u32 s13, $0x5  }
0x1f: {  	s17 =	sand.u32 $0xC00, s14;
	s18 =	sshll.u32 s13, $0x3;
	v10 =	vld [tilespmem:s15+$0x10];
	vm0 =	vgt.f32 v5, $0.0e+00;
	p0 =	sne.s32 s13, $0x1FF  }
.Ltmp0:
0x20: {  	s13 =	sadd.s32 $0x1, s13;
	vm1 =	vgt.f32 v7, $0.0e+00;
	s16 =	sand.u32 $0x3000, s16;
	v11 =	vsub.f32 v5, v8;
	v5 =	vld [tilespmem:s15+$0x4000];
	v7 =	vand.u32 $0x7FFFFFFF, v9;
	(pc) =	sbr.rel @p0 .LBB2_2-.Ltmp0, $4  }
0x21: {  	s12 =	sadd.s32 $0x20, s12;
	v9 =	vsel vm0, $0x3F800000, v0;
	v12 =	vsel vm1, $0x3F800000, v0;
	s16 =	sor.u32 s17, s16;
	s17 =	sand.u32 $0x380, s18;
	v8 =	vld [tilespmem:s15+$0x0];
	v13 =	vnsel vm1, $0x0, v7  }
0x22: {  	s15 =	sand.u32 $0x60, s12;
	v2 =	vadd.f32 v9, v2;
	s16 =	sor.u32 s17, s16;
	v11 =	vand.u32 $0x7FFFFFFF, v11;
	v6 =	vadd.f32 v13, v6  }
0x23: {  	v3 =	vadd.f32 v12, v3;
	s15 =	sor.u32 s15, s16;
	v11 =	vnsel vm0, $0x0, v11;
	v7 =	vmov v1  }
0x24: {  	s14 =	sadd.s32 $0x100, s14;
	v1 =	vld [tilespmem:s15+$0x4010];
	v9 =	vsub.f32 v7, v10;
	v4 =	vadd.f32 v11, v4  }
0x25: {  	v10 =	vld [tilespmem:s15+$0x10]  }
0x26: {  	v11 =	vld [tilespmem:s15+$0x4000]  }
0x27: {  	v12 =	vld [tilespmem:s15+$0x0];
	vm0 =	vgt.f32 v5, $0.0e+00  }
0x28: {  	vm1 =	vgt.f32 v7, $0.0e+00;
	v55 =	vsub.f32 v5, v8;
	v56 =	vand.u32 $0x7FFFFFFF, v9  }
0x29: {  	v57 =	vsel vm0, $0x3F800000, v0;
	v58 =	vsel vm1, $0x3F800000, v0;
	v7 =	vnsel vm1, $0x0, v56  }
0x2a: {  	v2 =	vadd.f32 v57, v2;
	v3 =	vadd.f32 v58, v3;
	v5 =	vand.u32 $0x7FFFFFFF, v55  }
0x2b: {  	v6 =	vadd.f32 v7, v6;
	v5 =	vnsel vm0, $0x0, v5;
	vm15 =	vgt.f32 v1, $0.0e+00  }
0x2c: {  	v59 =	vsub.f32 v1, v10;
	v60 =	vsub.f32 v11, v12;
	vm14 =	vgt.f32 v11, $0.0e+00  }
0x2d: {  	v4 =	vadd.f32 v5, v4;
	v63 =	vsel vm15, $0x3F800000, v0;
	v62 =	vsel vm14, $0x3F800000, v0  }
0x2e: {  	v3 =	vadd.f32 v63, v3;
	v1 =	vand.u32 $0x7FFFFFFF, v59;
	v61 =	vand.u32 $0x7FFFFFFF, v60  }
0x2f: {  	v2 =	vadd.f32 v62, v2;
	v1 =	vnsel vm15, $0x0, v1;
	v5 =	vnsel vm14, $0x0, v61  }
0x30: {  	v1 =	vadd.f32 v1, v6;
	v4 =	vadd.f32 v5, v4  }
0x31: {  	v2 =	vadd.f32 v3, v2  }
0x32: {  	s11 =	sadd.s32 $0x1, s11;
	v1 =	vadd.f32 v1, v4  }
0x33: {  	p0 =	sne.s32 s11, s6;
	[tilespmem:$0x8080] =	vst v2  }
.Ltmp1:
0x34: {  	[tilespmem:$0x8000] =	vst v1;
	(pc) =	sbr.rel @p0 .LBB2_1-.Ltmp1, $4  }
0x35: {  	[hbm4b:s5+s2] =	stream.linear.scatter [tilespmem:s9], [sflag:$0x2], $0x100, $0x38;
	[tilespmem:$0x8100] =	vst v63  }
0x36: {  	_ =	swait.ge [sflag:s10], $0x100  }
0x37: {  	[sflag:s10] =	ssyncset.done $0x0  }
0x38: {  	[sflag:s10] =	ssyncadd.s32 $0xFFFFFF00  }
0x39: {  	_ =	sfence.sel $0x180000  }
0x3a: {  	[bflag:$0x0] =	sbarrier.arrive $0xFFFF  }
0x3b: {  	p0 =	sne.s32 s1, $0x0;
	_ =	strace $0x90000047  }
0x3c: {  	s0 =	sadd.s32 @!p0 $0x100000, s0;
	[bflag:$0x2] =	sbarrier.arrive $0xFFFF  }
0x3d: {  	[sflag:s0] =	ssyncadd.tile.s32 @!p0 $0x1;
	_ =	shalt  }
.Lfunc_end2:
_tile_overlayer_lowered:
.L_overlay_start_2:
0x3e: {  	(tag) =	ssettag $0x2  }
0x3f: {  	s0 =	rddreg [dreg:$0x0];
	s2 =	stileid.u32  }
0x40: {  	s1 =	rddreg [dreg:$0x1];
	p0 =	sne.s32 s2, $0x0  }
0x41: {  	s3 =	rddreg [dreg:$0x2];
	[bflag:$0x3] =	sbarrier.arrive $0xFFFF;
	s2 =	simm.s32 @!p0 $0x1C02  }
0x42: {  	[timem:s3], [sflag:s2] =	dma.local @!p0 [hbm:s0], s1  }
0x43: {  	s0 =	simm.s32 @!p0 $0x2  }
0x44: {  	_ =	swait.ge @!p0 [sflag:s0], s1  }
0x45: {  	s1 =	ssub.s32 @!p0 $0x0, s1;
	[sflag:s0] =	ssyncset.done @!p0 $0x0  }
0x46: {  	[sflag:s0] =	ssyncadd.s32 @!p0 s1  }
0x47: {  	[bflag:$0x3] =	sbarrier.arrive $0xFFFF  }
0x48: {  	_ =	shalt  }

</sc_bundles>
